<compile_context>
chip_gen: v7x
topology: tpu7x:2x2x1
jax: 0.10.2.dev20260603
libtpu: 0.0.44.dev20260713+nightly
codegen_flags: <defaults>
</compile_context>

<pallas_src>
import functools

import jax
import jax.numpy as jnp
from jax import lax
from jax.experimental import pallas as pl
from jax.experimental.pallas import tpu as pltpu
from jax.experimental.pallas import tpu_sc as plsc

_NUM_CORES = 2
_NUM_SUBCORES = 16
_NUM_WORKERS = _NUM_CORES * _NUM_SUBCORES
_CB = 8
_LANES = 128
_PAD_ROWS = 4000
_SEL_BATCH = 256


def _pad_body(t_ref, out_ref):
    d = t_ref.shape[-1]
    out_ref[:, :d] = t_ref[...]


def _slice_body(pairs_ref, out_ref):
    d = out_ref.shape[1]
    out_ref[...] = jnp.transpose(pairs_ref[:, :, :d], (1, 2, 0))


def kernel(x, table):
    batch, hist = x.shape
    vocab, d_model = table.shape
    n = batch * hist
    idx = x.reshape(n).astype(jnp.int32)

    chunk = _CB * hist
    batches_per_worker = batch // _NUM_WORKERS
    rows_per_worker = batches_per_worker * hist
    n_chunks = batches_per_worker // _CB
    assert n_chunks % 2 == 0 and n_chunks * chunk == rows_per_worker

    table_w = pl.pallas_call(
        _pad_body,
        grid=(vocab // _PAD_ROWS,),
        in_specs=[pl.BlockSpec((_PAD_ROWS, d_model), lambda i: (i, 0))],
        out_specs=pl.BlockSpec((_PAD_ROWS, _LANES), lambda i: (i, 0)),
        out_shape=jax.ShapeDtypeStruct((vocab, _LANES), table.dtype),
    )(table)

    mesh = plsc.VectorSubcoreMesh(core_axis_name="c", subcore_axis_name="s")

    @functools.partial(
        pl.kernel,
        mesh=mesh,
        out_type=jax.ShapeDtypeStruct((batch, hist, _LANES), table.dtype),
        scratch_types=[
            pltpu.VMEM((chunk,), jnp.int32),
            pltpu.VMEM((chunk,), jnp.int32),
            pltpu.VMEM((chunk, _LANES), jnp.float32),
            pltpu.VMEM((chunk, _LANES), jnp.float32),
            pltpu.SemaphoreType.DMA,
            pltpu.SemaphoreType.DMA,
            pltpu.SemaphoreType.DMA,
            pltpu.SemaphoreType.DMA,
        ],
    )
    def gather_k(table_hbm, idx_hbm, out_hbm, iv_a, iv_b, rows_a, rows_b,
                 g_a, g_b, w_a, w_b):
        wid = lax.axis_index("s") * _NUM_CORES + lax.axis_index("c")
        base = wid * rows_per_worker
        b_base = wid * batches_per_worker
        last = base + (n_chunks - 1) * chunk

        def load_idx(off, iv):
            pltpu.sync_copy(idx_hbm.at[pl.ds(off, chunk)], iv)

        def out_block(bj):
            return out_hbm.at[pl.ds(b_base + bj * _CB, _CB)]

        load_idx(base, iv_a)
        pltpu.async_copy(table_hbm.at[iv_a], rows_a, g_a)
        load_idx(base + chunk, iv_b)
        pltpu.async_copy(table_hbm.at[iv_b], rows_b, g_b)

        @pl.loop(0, n_chunks, step=2)
        def _(j):
            off_a = base + j * chunk
            off_b = off_a + chunk
            dst_a = out_block(j)
            dst_b = out_block(j + 1)
            pltpu.make_async_copy(table_hbm.at[iv_a], rows_a, g_a).wait()
            pltpu.async_copy(rows_a.reshape(_CB, hist, _LANES), dst_a, w_a)
            pltpu.make_async_copy(table_hbm.at[iv_b], rows_b, g_b).wait()
            pltpu.async_copy(rows_b.reshape(_CB, hist, _LANES), dst_b, w_b)
            off_a2 = jnp.minimum(off_a + 2 * chunk, last)
            off_b2 = jnp.minimum(off_b + 2 * chunk, last)
            load_idx(off_a2, iv_a)
            pltpu.make_async_copy(rows_a.reshape(_CB, hist, _LANES), dst_a,
                                  w_a).wait()
            pltpu.async_copy(table_hbm.at[iv_a], rows_a, g_a)
            load_idx(off_b2, iv_b)
            pltpu.make_async_copy(rows_b.reshape(_CB, hist, _LANES), dst_b,
                                  w_b).wait()
            pltpu.async_copy(table_hbm.at[iv_b], rows_b, g_b)

        pltpu.make_async_copy(table_hbm.at[iv_a], rows_a, g_a).wait()
        pltpu.make_async_copy(table_hbm.at[iv_b], rows_b, g_b).wait()

    pairs3 = gather_k(table_w, idx)

    out_t = pl.pallas_call(
        _slice_body,
        grid=(batch // _SEL_BATCH,),
        in_specs=[
            pl.BlockSpec((_SEL_BATCH, hist, _LANES), lambda i: (i, 0, 0)),
        ],
        out_specs=pl.BlockSpec((hist, d_model, _SEL_BATCH), lambda i: (0, 0, i)),
        out_shape=jax.ShapeDtypeStruct((hist, d_model, batch), table.dtype),
    )(pairs3)

    return out_t.transpose(2, 0, 1)

# --- scband reference (transcript-rebuilt; emitter-appended) ---
"""Pipeline reference for scband-embedder-21749714387155 (READ-ONLY COPY).

The authoritative reference and input builder live on the scoring server;
editing this copy changes nothing except your own understanding.
"""

import jax, jax.numpy as jnp
import numpy as np

VOCAB = 1000000
D_MODEL = 64
BATCH = 16384
HIST = 50

def setup_inputs(seed: int = 0) -> dict:
    key = jax.random.key(seed)
    k1, k2 = jax.random.split(key)
    x = jax.random.randint(k1, (BATCH, HIST), 0, VOCAB, dtype=jnp.int64) if jax.config.read('jax_enable_x64') else jax.random.randint(k1, (BATCH, HIST), 0, VOCAB, dtype=jnp.int32)
    table = jax.random.normal(k2, (VOCAB, D_MODEL), dtype=jnp.float32)
    return {"x": x, "table": table}

def reference(x, table):
    # nn.Embedding forward: gather rows of the embedding table
    return jnp.take(table, x, axis=0)

if __name__ == "__main__":
    import jax
    _d = setup_inputs()
    print(jax.jit(kernel)(*tuple(_d.values())))

</pallas_src>

<mosaic_0001>
#map = affine_map<(d0, d1) -> (0, 0)>
#map1 = affine_map<(d0, d1) -> (0)>
#map2 = affine_map<(d0, d1) -> (0, 0, 0)>
module attributes {stable_mosaic.version = 14 : i64} {
  func.func @gather_k(%arg0: i32, %arg1: i32, %arg2: memref<1000000x128xf32, #tpu.memory_space<hbm>>, %arg3: memref<819200xi32, #tpu.memory_space<hbm>>, %arg4: memref<16384x50x128xf32, #tpu.memory_space<hbm>>, %arg5: memref<400xi32, #tpu.memory_space<vmem>>, %arg6: memref<400xi32, #tpu.memory_space<vmem>>, %arg7: memref<400x128xf32, #tpu.memory_space<vmem>>, %arg8: memref<400x128xf32, #tpu.memory_space<vmem>>, %arg9: memref<!tpu.dma_semaphore, #tpu.memory_space<semaphore_mem>>, %arg10: memref<!tpu.dma_semaphore, #tpu.memory_space<semaphore_mem>>, %arg11: memref<!tpu.dma_semaphore, #tpu.memory_space<semaphore_mem>>, %arg12: memref<!tpu.dma_semaphore, #tpu.memory_space<semaphore_mem>>) attributes {dimension_semantics = [#tpu.dimension_semantics<core_parallel>, #tpu.dimension_semantics<subcore_parallel>], iteration_bounds = array<i64: 2, 16>, scalar_prefetch = 0 : i64, scratch_operands = 8 : i64, tpu.core_type = #tpu.core_type<sc_vector_subcore>, window_params = [{transform_indices = #map}, {transform_indices = #map1}, {transform_indices = #map2}]} {
    %mul3A = arith.constant 2 : i32
    %mul3A_0 = arith.muli %arg1, %mul3A : i32
    %add3A = arith.addi %mul3A_0, %arg0 : i32
    %mul3A_1 = arith.constant 25600 : i32
    %mul3A_2 = arith.muli %add3A, %mul3A_1 : i32
    %mul3A_3 = arith.constant 512 : i32
    %mul3A_4 = arith.muli %add3A, %mul3A_3 : i32
    %add3A_5 = arith.constant 25200 : i32
    %add3A_6 = arith.addi %mul3A_2, %add3A_5 : i32
    "tpu.region"() ({
      %run_scoped3A = tpu.sem_alloc : memref<!tpu.dma_semaphore, #tpu.memory_space<semaphore_mem>>
      %dma_start3A_23 = tpu.memref_slice %arg3[%mul3A_2] : memref<819200xi32, #tpu.memory_space<hbm>> -> memref<400xi32, #tpu.memory_space<hbm>>
      %dma_start3A_24 = tpu.memref_slice %arg3[%mul3A_2] : memref<819200xi32, #tpu.memory_space<hbm>> -> memref<400xi32, #tpu.memory_space<hbm>>
      tpu.enqueue_dma source(%dma_start3A_24 : memref<400xi32, #tpu.memory_space<hbm>>) target(%arg5 : memref<400xi32, #tpu.memory_space<vmem>>) target_semaphore(%run_scoped3A : memref<!tpu.dma_semaphore, #tpu.memory_space<semaphore_mem>>)
      %dma_wait3A_25 = tpu.memref_slice %arg3[%mul3A_2] : memref<819200xi32, #tpu.memory_space<hbm>> -> memref<400xi32, #tpu.memory_space<hbm>>
      %dma_wait3A_26 = tpu.memref_slice %arg3[%mul3A_2] : memref<819200xi32, #tpu.memory_space<hbm>> -> memref<400xi32, #tpu.memory_space<hbm>>
      tpu.wait_dma2 semaphore(%run_scoped3A : memref<!tpu.dma_semaphore, #tpu.memory_space<semaphore_mem>>) src(%dma_wait3A_26 : memref<400xi32, #tpu.memory_space<hbm>>) dst(%arg5 : memref<400xi32, #tpu.memory_space<vmem>>)
      tpu.yield
    }) : () -> ()
    %dma_start3A = arith.constant 0 : i32
    %dma_start3A_7 = arith.constant 0 : i32
    %dma_start3A_8 = tpu.memref_slice %arg2[%dma_start3A, %dma_start3A_7] : memref<1000000x128xf32, #tpu.memory_space<hbm>> -> memref<1000000x128xf32, #tpu.memory_space<hbm>>
    tpu.enqueue_indirect_dma source(%dma_start3A_8 : memref<1000000x128xf32, #tpu.memory_space<hbm>>) target(%arg7 : memref<400x128xf32, #tpu.memory_space<vmem>>) offsets(%arg5 : memref<400xi32, #tpu.memory_space<vmem>>) semaphore(%arg9 : memref<!tpu.dma_semaphore, #tpu.memory_space<semaphore_mem>>)
    %add3A_9 = arith.constant 400 : i32
    %add3A_10 = arith.addi %mul3A_2, %add3A_9 : i32
    "tpu.region"() ({
      %run_scoped3A = tpu.sem_alloc : memref<!tpu.dma_semaphore, #tpu.memory_space<semaphore_mem>>
      %dma_start3A_23 = tpu.memref_slice %arg3[%add3A_10] : memref<819200xi32, #tpu.memory_space<hbm>> -> memref<400xi32, #tpu.memory_space<hbm>>
      %dma_start3A_24 = tpu.memref_slice %arg3[%add3A_10] : memref<819200xi32, #tpu.memory_space<hbm>> -> memref<400xi32, #tpu.memory_space<hbm>>
      tpu.enqueue_dma source(%dma_start3A_24 : memref<400xi32, #tpu.memory_space<hbm>>) target(%arg6 : memref<400xi32, #tpu.memory_space<vmem>>) target_semaphore(%run_scoped3A : memref<!tpu.dma_semaphore, #tpu.memory_space<semaphore_mem>>)
      %dma_wait3A_25 = tpu.memref_slice %arg3[%add3A_10] : memref<819200xi32, #tpu.memory_space<hbm>> -> memref<400xi32, #tpu.memory_space<hbm>>
      %dma_wait3A_26 = tpu.memref_slice %arg3[%add3A_10] : memref<819200xi32, #tpu.memory_space<hbm>> -> memref<400xi32, #tpu.memory_space<hbm>>
      tpu.wait_dma2 semaphore(%run_scoped3A : memref<!tpu.dma_semaphore, #tpu.memory_space<semaphore_mem>>) src(%dma_wait3A_26 : memref<400xi32, #tpu.memory_space<hbm>>) dst(%arg6 : memref<400xi32, #tpu.memory_space<vmem>>)
      tpu.yield
    }) : () -> ()
    %dma_start3A_11 = arith.constant 0 : i32
    %dma_start3A_12 = arith.constant 0 : i32
    %dma_start3A_13 = tpu.memref_slice %arg2[%dma_start3A_11, %dma_start3A_12] : memref<1000000x128xf32, #tpu.memory_space<hbm>> -> memref<1000000x128xf32, #tpu.memory_space<hbm>>
    tpu.enqueue_indirect_dma source(%dma_start3A_13 : memref<1000000x128xf32, #tpu.memory_space<hbm>>) target(%arg8 : memref<400x128xf32, #tpu.memory_space<vmem>>) offsets(%arg6 : memref<400xi32, #tpu.memory_space<vmem>>) semaphore(%arg10 : memref<!tpu.dma_semaphore, #tpu.memory_space<semaphore_mem>>)
    %scan3A = arith.constant 0 : i32
    %scan3A_14 = arith.constant 32 : i32
    %scan3A_15 = arith.addi %scan3A, %scan3A_14 : i32
    %scan3A_16 = arith.constant 1 : i32
    scf.for %scan3A_23 = %scan3A to %scan3A_15 step %scan3A_16  : i32 {
      %mul3A_24 = arith.constant 2 : i32
      %mul3A_25 = arith.muli %scan3A_23, %mul3A_24 : i32
      %add3A_26 = arith.constant 0 : i32
      %add3A_27 = arith.addi %add3A_26, %mul3A_25 : i32
      %mul3A_28 = arith.constant 400 : i32
      %mul3A_29 = arith.muli %add3A_27, %mul3A_28 : i32
      %add3A_30 = arith.addi %mul3A_2, %mul3A_29 : i32
      %add3A_31 = arith.constant 400 : i32
      %add3A_32 = arith.addi %add3A_30, %add3A_31 : i32
      %mul3A_33 = arith.constant 8 : i32
      %mul3A_34 = arith.muli %add3A_27, %mul3A_33 : i32
      %add3A_35 = arith.addi %mul3A_4, %mul3A_34 : i32
      %add3A_36 = arith.constant 1 : i32
      %add3A_37 = arith.addi %add3A_27, %add3A_36 : i32
      %mul3A_38 = arith.constant 8 : i32
      %mul3A_39 = arith.muli %add3A_37, %mul3A_38 : i32
      %add3A_40 = arith.addi %mul3A_4, %mul3A_39 : i32
      %dma_wait3A_41 = arith.constant 0 : i32
      %dma_wait3A_42 = arith.constant 0 : i32
      %dma_wait3A_43 = tpu.memref_slice %arg2[%dma_wait3A_41, %dma_wait3A_42] : memref<1000000x128xf32, #tpu.memory_space<hbm>> -> memref<1000000x128xf32, #tpu.memory_space<hbm>>
      tpu.wait_indirect_dma semaphore(%arg9 : memref<!tpu.dma_semaphore, #tpu.memory_space<semaphore_mem>>) src(%dma_wait3A_43 : memref<1000000x128xf32, #tpu.memory_space<hbm>>) dst(%arg7 : memref<400x128xf32, #tpu.memory_space<vmem>>)
      %dma_start3A_44 = tpu.memref_reshape %arg7 : memref<400x128xf32, #tpu.memory_space<vmem>> -> memref<8x50x128xf32, #tpu.memory_space<vmem>>
      %dma_start3A_45 = arith.constant 0 : i32
      %dma_start3A_46 = arith.constant 0 : i32
      %dma_start3A_47 = tpu.memref_slice %arg4[%add3A_35, %dma_start3A_45, %dma_start3A_46] : memref<16384x50x128xf32, #tpu.memory_space<hbm>> -> memref<8x50x128xf32, #tpu.memory_space<hbm>>
      %dma_start3A_48 = arith.constant 0 : i32
      %dma_start3A_49 = arith.constant 0 : i32
      %dma_start3A_50 = tpu.memref_slice %arg4[%add3A_35, %dma_start3A_48, %dma_start3A_49] : memref<16384x50x128xf32, #tpu.memory_space<hbm>> -> memref<8x50x128xf32, #tpu.memory_space<hbm>>
      %dma_start3A_51 = tpu.memref_reshape %arg7 : memref<400x128xf32, #tpu.memory_space<vmem>> -> memref<8x50x128xf32, #tpu.memory_space<vmem>>
      tpu.enqueue_dma source(%dma_start3A_51 : memref<8x50x128xf32, #tpu.memory_space<vmem>>) target(%dma_start3A_50 : memref<8x50x128xf32, #tpu.memory_space<hbm>>) target_semaphore(%arg11 : memref<!tpu.dma_semaphore, #tpu.memory_space<semaphore_mem>>)
      %dma_wait3A_52 = arith.constant 0 : i32
      %dma_wait3A_53 = arith.constant 0 : i32
      %dma_wait3A_54 = tpu.memref_slice %arg2[%dma_wait3A_52, %dma_wait3A_53] : memref<1000000x128xf32, #tpu.memory_space<hbm>> -> memref<1000000x128xf32, #tpu.memory_space<hbm>>
      tpu.wait_indirect_dma semaphore(%arg10 : memref<!tpu.dma_semaphore, #tpu.memory_space<semaphore_mem>>) src(%dma_wait3A_54 : memref<1000000x128xf32, #tpu.memory_space<hbm>>) dst(%arg8 : memref<400x128xf32, #tpu.memory_space<vmem>>)
      %dma_start3A_55 = tpu.memref_reshape %arg8 : memref<400x128xf32, #tpu.memory_space<vmem>> -> memref<8x50x128xf32, #tpu.memory_space<vmem>>
      %dma_start3A_56 = arith.constant 0 : i32
      %dma_start3A_57 = arith.constant 0 : i32
      %dma_start3A_58 = tpu.memref_slice %arg4[%add3A_40, %dma_start3A_56, %dma_start3A_57] : memref<16384x50x128xf32, #tpu.memory_space<hbm>> -> memref<8x50x128xf32, #tpu.memory_space<hbm>>
      %dma_start3A_59 = arith.constant 0 : i32
      %dma_start3A_60 = arith.constant 0 : i32
      %dma_start3A_61 = tpu.memref_slice %arg4[%add3A_40, %dma_start3A_59, %dma_start3A_60] : memref<16384x50x128xf32, #tpu.memory_space<hbm>> -> memref<8x50x128xf32, #tpu.memory_space<hbm>>
      %dma_start3A_62 = tpu.memref_reshape %arg8 : memref<400x128xf32, #tpu.memory_space<vmem>> -> memref<8x50x128xf32, #tpu.memory_space<vmem>>
      tpu.enqueue_dma source(%dma_start3A_62 : memref<8x50x128xf32, #tpu.memory_space<vmem>>) target(%dma_start3A_61 : memref<8x50x128xf32, #tpu.memory_space<hbm>>) target_semaphore(%arg12 : memref<!tpu.dma_semaphore, #tpu.memory_space<semaphore_mem>>)
      %add3A_63 = arith.constant 800 : i32
      %add3A_64 = arith.addi %add3A_30, %add3A_63 : i32
      %min3A = arith.minsi %add3A_64, %add3A_6 : i32
      %add3A_65 = arith.constant 800 : i32
      %add3A_66 = arith.addi %add3A_32, %add3A_65 : i32
      %min3A_67 = arith.minsi %add3A_66, %add3A_6 : i32
      "tpu.region"() ({
        %run_scoped3A = tpu.sem_alloc : memref<!tpu.dma_semaphore, #tpu.memory_space<semaphore_mem>>
        %dma_start3A_90 = tpu.memref_slice %arg3[%min3A] : memref<819200xi32, #tpu.memory_space<hbm>> -> memref<400xi32, #tpu.memory_space<hbm>>
        %dma_start3A_91 = tpu.memref_slice %arg3[%min3A] : memref<819200xi32, #tpu.memory_space<hbm>> -> memref<400xi32, #tpu.memory_space<hbm>>
        tpu.enqueue_dma source(%dma_start3A_91 : memref<400xi32, #tpu.memory_space<hbm>>) target(%arg5 : memref<400xi32, #tpu.memory_space<vmem>>) target_semaphore(%run_scoped3A : memref<!tpu.dma_semaphore, #tpu.memory_space<semaphore_mem>>)
        %dma_wait3A_92 = tpu.memref_slice %arg3[%min3A] : memref<819200xi32, #tpu.memory_space<hbm>> -> memref<400xi32, #tpu.memory_space<hbm>>
        %dma_wait3A_93 = tpu.memref_slice %arg3[%min3A] : memref<819200xi32, #tpu.memory_space<hbm>> -> memref<400xi32, #tpu.memory_space<hbm>>
        tpu.wait_dma2 semaphore(%run_scoped3A : memref<!tpu.dma_semaphore, #tpu.memory_space<semaphore_mem>>) src(%dma_wait3A_93 : memref<400xi32, #tpu.memory_space<hbm>>) dst(%arg5 : memref<400xi32, #tpu.memory_space<vmem>>)
        tpu.yield
      }) : () -> ()
      %dma_wait3A_68 = tpu.memref_reshape %arg7 : memref<400x128xf32, #tpu.memory_space<vmem>> -> memref<8x50x128xf32, #tpu.memory_space<vmem>>
      %dma_wait3A_69 = arith.constant 0 : i32
      %dma_wait3A_70 = arith.constant 0 : i32
      %dma_wait3A_71 = tpu.memref_slice %arg4[%add3A_35, %dma_wait3A_69, %dma_wait3A_70] : memref<16384x50x128xf32, #tpu.memory_space<hbm>> -> memref<8x50x128xf32, #tpu.memory_space<hbm>>
      %dma_wait3A_72 = arith.constant 0 : i32
      %dma_wait3A_73 = arith.constant 0 : i32
      %dma_wait3A_74 = tpu.memref_slice %arg4[%add3A_35, %dma_wait3A_72, %dma_wait3A_73] : memref<16384x50x128xf32, #tpu.memory_space<hbm>> -> memref<8x50x128xf32, #tpu.memory_space<hbm>>
      %dma_wait3A_75 = tpu.memref_reshape %arg7 : memref<400x128xf32, #tpu.memory_space<vmem>> -> memref<8x50x128xf32, #tpu.memory_space<vmem>>
      tpu.wait_dma2 semaphore(%arg11 : memref<!tpu.dma_semaphore, #tpu.memory_space<semaphore_mem>>) src(%dma_wait3A_75 : memref<8x50x128xf32, #tpu.memory_space<vmem>>) dst(%dma_wait3A_74 : memref<8x50x128xf32, #tpu.memory_space<hbm>>)
      %dma_start3A_76 = arith.constant 0 : i32
      %dma_start3A_77 = arith.constant 0 : i32
      %dma_start3A_78 = tpu.memref_slice %arg2[%dma_start3A_76, %dma_start3A_77] : memref<1000000x128xf32, #tpu.memory_space<hbm>> -> memref<1000000x128xf32, #tpu.memory_space<hbm>>
      tpu.enqueue_indirect_dma source(%dma_start3A_78 : memref<1000000x128xf32, #tpu.memory_space<hbm>>) target(%arg7 : memref<400x128xf32, #tpu.memory_space<vmem>>) offsets(%arg5 : memref<400xi32, #tpu.memory_space<vmem>>) semaphore(%arg9 : memref<!tpu.dma_semaphore, #tpu.memory_space<semaphore_mem>>)
      "tpu.region"() ({
        %run_scoped3A = tpu.sem_alloc : memref<!tpu.dma_semaphore, #tpu.memory_space<semaphore_mem>>
        %dma_start3A_90 = tpu.memref_slice %arg3[%min3A_67] : memref<819200xi32, #tpu.memory_space<hbm>> -> memref<400xi32, #tpu.memory_space<hbm>>
        %dma_start3A_91 = tpu.memref_slice %arg3[%min3A_67] : memref<819200xi32, #tpu.memory_space<hbm>> -> memref<400xi32, #tpu.memory_space<hbm>>
        tpu.enqueue_dma source(%dma_start3A_91 : memref<400xi32, #tpu.memory_space<hbm>>) target(%arg6 : memref<400xi32, #tpu.memory_space<vmem>>) target_semaphore(%run_scoped3A : memref<!tpu.dma_semaphore, #tpu.memory_space<semaphore_mem>>)
        %dma_wait3A_92 = tpu.memref_slice %arg3[%min3A_67] : memref<819200xi32, #tpu.memory_space<hbm>> -> memref<400xi32, #tpu.memory_space<hbm>>
        %dma_wait3A_93 = tpu.memref_slice %arg3[%min3A_67] : memref<819200xi32, #tpu.memory_space<hbm>> -> memref<400xi32, #tpu.memory_space<hbm>>
        tpu.wait_dma2 semaphore(%run_scoped3A : memref<!tpu.dma_semaphore, #tpu.memory_space<semaphore_mem>>) src(%dma_wait3A_93 : memref<400xi32, #tpu.memory_space<hbm>>) dst(%arg6 : memref<400xi32, #tpu.memory_space<vmem>>)
        tpu.yield
      }) : () -> ()
      %dma_wait3A_79 = tpu.memref_reshape %arg8 : memref<400x128xf32, #tpu.memory_space<vmem>> -> memref<8x50x128xf32, #tpu.memory_space<vmem>>
      %dma_wait3A_80 = arith.constant 0 : i32
      %dma_wait3A_81 = arith.constant 0 : i32
      %dma_wait3A_82 = tpu.memref_slice %arg4[%add3A_40, %dma_wait3A_80, %dma_wait3A_81] : memref<16384x50x128xf32, #tpu.memory_space<hbm>> -> memref<8x50x128xf32, #tpu.memory_space<hbm>>
      %dma_wait3A_83 = arith.constant 0 : i32
      %dma_wait3A_84 = arith.constant 0 : i32
      %dma_wait3A_85 = tpu.memref_slice %arg4[%add3A_40, %dma_wait3A_83, %dma_wait3A_84] : memref<16384x50x128xf32, #tpu.memory_space<hbm>> -> memref<8x50x128xf32, #tpu.memory_space<hbm>>
      %dma_wait3A_86 = tpu.memref_reshape %arg8 : memref<400x128xf32, #tpu.memory_space<vmem>> -> memref<8x50x128xf32, #tpu.memory_space<vmem>>
      tpu.wait_dma2 semaphore(%arg12 : memref<!tpu.dma_semaphore, #tpu.memory_space<semaphore_mem>>) src(%dma_wait3A_86 : memref<8x50x128xf32, #tpu.memory_space<vmem>>) dst(%dma_wait3A_85 : memref<8x50x128xf32, #tpu.memory_space<hbm>>)
      %dma_start3A_87 = arith.constant 0 : i32
      %dma_start3A_88 = arith.constant 0 : i32
      %dma_start3A_89 = tpu.memref_slice %arg2[%dma_start3A_87, %dma_start3A_88] : memref<1000000x128xf32, #tpu.memory_space<hbm>> -> memref<1000000x128xf32, #tpu.memory_space<hbm>>
      tpu.enqueue_indirect_dma source(%dma_start3A_89 : memref<1000000x128xf32, #tpu.memory_space<hbm>>) target(%arg8 : memref<400x128xf32, #tpu.memory_space<vmem>>) offsets(%arg6 : memref<400xi32, #tpu.memory_space<vmem>>) semaphore(%arg10 : memref<!tpu.dma_semaphore, #tpu.memory_space<semaphore_mem>>)
    }
    %scan3A_17 = arith.constant 32 : i32
    %dma_wait3A = arith.constant 0 : i32
    %dma_wait3A_18 = arith.constant 0 : i32
    %dma_wait3A_19 = tpu.memref_slice %arg2[%dma_wait3A, %dma_wait3A_18] : memref<1000000x128xf32, #tpu.memory_space<hbm>> -> memref<1000000x128xf32, #tpu.memory_space<hbm>>
    tpu.wait_indirect_dma semaphore(%arg9 : memref<!tpu.dma_semaphore, #tpu.memory_space<semaphore_mem>>) src(%dma_wait3A_19 : memref<1000000x128xf32, #tpu.memory_space<hbm>>) dst(%arg7 : memref<400x128xf32, #tpu.memory_space<vmem>>)
    %dma_wait3A_20 = arith.constant 0 : i32
    %dma_wait3A_21 = arith.constant 0 : i32
    %dma_wait3A_22 = tpu.memref_slice %arg2[%dma_wait3A_20, %dma_wait3A_21] : memref<1000000x128xf32, #tpu.memory_space<hbm>> -> memref<1000000x128xf32, #tpu.memory_space<hbm>>
    tpu.wait_indirect_dma semaphore(%arg10 : memref<!tpu.dma_semaphore, #tpu.memory_space<semaphore_mem>>) src(%dma_wait3A_22 : memref<1000000x128xf32, #tpu.memory_space<hbm>>) dst(%arg8 : memref<400x128xf32, #tpu.memory_space<vmem>>)
    return
  }
}

module attributes {stable_mosaic.version = 14 : i64} {
  func.func @_pad_body(%arg0: i32, %arg1: memref<4000x64xf32, #tpu.memory_space<vmem>>, %arg2: memref<4000x128xf32, #tpu.memory_space<vmem>>) attributes {dimension_semantics = [#tpu.dimension_semantics<arbitrary>], iteration_bounds = array<i64: 250>, scalar_prefetch = 0 : i64, scratch_operands = 0 : i64, tpu.core_type = #tpu.core_type<tc>, window_params = [{transform_indices = @transform_0, window_bounds = array<i64: 4000, 64>}, {transform_indices = @transform_1, window_bounds = array<i64: 4000, 128>}]} {
    %get3A = arith.constant 0 : index
    %get3A_0 = arith.constant 0 : index
    %get3A_1 = vector.load %arg1[%get3A, %get3A_0] : memref<4000x64xf32, #tpu.memory_space<vmem>>, vector<4000x64xf32>
    %swap3A = arith.constant 0 : index
    %swap3A_2 = arith.constant 0 : index
    %swap3A_3 = vector.load %arg2[%swap3A, %swap3A_2] : memref<4000x128xf32, #tpu.memory_space<vmem>>, vector<4000x64xf32>
    tpu.vector_store %arg2[%swap3A, %swap3A_2], %get3A_1 {strides = array<i32>} : memref<4000x128xf32, #tpu.memory_space<vmem>>, vector<4000x64xf32>,
    return
  }
  func.func @transform_0(%arg0: i32) -> (i32, i32) {
    %c0_i32 = arith.constant 0 : i32
    %c0_i32_0 = arith.constant 0 : i32
    return %arg0, %c0_i32 : i32, i32
  }
  func.func @transform_1(%arg0: i32) -> (i32, i32) {
    %c0_i32 = arith.constant 0 : i32
    %c0_i32_0 = arith.constant 0 : i32
    return %arg0, %c0_i32 : i32, i32
  }
}

module attributes {stable_mosaic.version = 14 : i64} {
  func.func @_slice_body(%arg0: i32, %arg1: memref<256x50x128xf32, #tpu.memory_space<vmem>>, %arg2: memref<50x64x256xf32, #tpu.memory_space<vmem>>) attributes {dimension_semantics = [#tpu.dimension_semantics<arbitrary>], iteration_bounds = array<i64: 64>, scalar_prefetch = 0 : i64, scratch_operands = 0 : i64, tpu.core_type = #tpu.core_type<tc>, window_params = [{transform_indices = @transform_0, window_bounds = array<i64: 256, 50, 128>}, {transform_indices = @transform_1, window_bounds = array<i64: 50, 64, 256>}]} {
    %get3A = arith.constant 0 : index
    %get3A_0 = arith.constant 0 : index
    %get3A_1 = arith.constant 0 : index
    %get3A_2 = vector.load %arg1[%get3A, %get3A_0, %get3A_1] : memref<256x50x128xf32, #tpu.memory_space<vmem>>, vector<256x50x64xf32>
    %transpose3A = tpu.transpose %get3A_2, [1, 2, 0] : vector<256x50x64xf32> -> vector<50x64x256xf32>
    %swap3A = arith.constant 0 : index
    %swap3A_3 = arith.constant 0 : index
    %swap3A_4 = arith.constant 0 : index
    %swap3A_5 = vector.load %arg2[%swap3A, %swap3A_3, %swap3A_4] : memref<50x64x256xf32, #tpu.memory_space<vmem>>, vector<50x64x256xf32>
    tpu.vector_store %arg2[%swap3A, %swap3A_3, %swap3A_4], %transpose3A {strides = array<i32>} : memref<50x64x256xf32, #tpu.memory_space<vmem>>, vector<50x64x256xf32>,
    return
  }
  func.func @transform_0(%arg0: i32) -> (i32, i32, i32) {
    %c0_i32 = arith.constant 0 : i32
    %c0_i32_0 = arith.constant 0 : i32
    %c0_i32_1 = arith.constant 0 : i32
    return %arg0, %c0_i32, %c0_i32_0 : i32, i32, i32
  }
  func.func @transform_1(%arg0: i32) -> (i32, i32, i32) {
    %c0_i32 = arith.constant 0 : i32
    %c0_i32_0 = arith.constant 0 : i32
    %c0_i32_1 = arith.constant 0 : i32
    return %c0_i32, %c0_i32_0, %arg0 : i32, i32, i32
  }
}

</mosaic_0001>

<sc_bundles>
// kernel: kernel.5.cloned.1.call-start
scs
__scs_entry_jumppad:
0x0: {  	(pc) =	sbr.rel $0x88, $3  }
0x1: {  	(tag) =	ssettag $0x0;
	lr =	simm.s32 $0x1  }
0x2: {  	[smem:$0x3F9F] =	sst lr;
	_ =	strace $0xD0000000  }
0x3: {  	_ = 	snop  }
0x4: {  	_ = 	snop  }
0x5: {  	_ = 	snop  }
0x6: {  	_ = 	snop  }
0x7: {  	_ = 	snop  }
__scs_overlays_trampoline_lowered:
0x8: {  	[smem:$0x3FAE] =	sst s0  }
0x9: {  	[smem:$0x3FAF] =	sst s1  }
0xa: {  	[smem:$0x3FB0] =	sst s2  }
0xb: {  	[smem:$0x3FB1] =	sst s3  }
0xc: {  	[smem:$0x3FB2] =	sst s4  }
0xd: {  	[smem:$0x3FB3] =	sst s5  }
0xe: {  	[smem:$0x3FB4] =	sst s6  }
0xf: {  	[smem:$0x3FB5] =	sst s7  }
0x10: {  	[smem:$0x3FB6] =	sst s8  }
0x11: {  	[smem:$0x3FB7] =	sst s9;
	s0 =	simm.s32 @!p0 $0x0  }
0x12: {  	s1 =	sld [smem:$0x3F9D];
	s0 =	simm.s32 @p0 $0x1  }
0x13: {  	[smem:$0x3FB8] =	sst s0;
	s0 =	simm.s32 @!p1 $0x0  }
0x14: {  	s2 =	sld [smem:$0x3F9C];
	s0 =	simm.s32 @p1 $0x1  }
0x15: {  	[smem:$0x3FB9] =	sst s0;
	s0 =	simm.s32 @!p2 $0x0  }
0x16: {  	s3 =	sld [smem:$0x3FDB];
	s0 =	simm.s32 @p2 $0x1  }
0x17: {  	s4 =	simm.s32 $0x1BF5;
	[smem:$0x3FBB] =	sst s0  }
0x18: {  	s0 =	sld [smem:$0x3F9E];
	_ =	swait.ge [sflag:s4], $0x0  }
0x19: {  	s7 =	sld [smem:$0x3F9F]  }
0x1a: {  	s8 =	sadd.s32 $0xFFFFE003, lr  }
0x1b: {  	s9 =	sadd.s32 $0xFFFFFEF7, lr;
	s5 =	simm.s32 $0xFFFFFFFF;
	p2 =	slt.u32 s8, $0xFFFFF086  }
0x1c: {  	p1 =	slt.u32 s9, $0xF7A;
	s5 =	simm.s32 @!p2 $0x0  }
0x1d: {  	s5 =	simm.s32 @p1 $0x1;
	p0 =	seq.s32 s7, s2  }
0x1e: {  	s7 =	smul.u32 @!p0 $0xF7A, s2;
	p2 =	seq.s32 @!p0 s5, $0x0  }
0x1f: {  	s9 =	smul.u32 $0xF7A, s1;
	s8 =	simm.s32 @!p0 $0x1BF5;
	p2 =	por !p2, p0  }
0x20: {  	[sflag:s8] =	ssyncset.s32 @!p0 $0xFFFFF086;
	s6 =	sadd.s32 @!p0 s3, s7;
	s7 =	simm.s32 @!p0 $0x108  }
0x21: {  	s3 =	sadd.s32 s3, s9;
	s6 =	sadd.s32 @!p0 $0x88, s6;
	s7 =	simm.s32 @p2 $0x1082  }
0x22: {  	[simem:s7], [sflag:s8] =	dma.local @!p0 [hbm:s6], $0xF7A  }
0x23: {  	s9 =	sor.u32 $0xD0000000, s2;
	s6 =	simm.s32 $0x108;
	_ =	swait.ge @!p0 [sflag:s8], $0x0  }
0x24: {  	s3 =	sadd.s32 $0x88, s3;
	s6 =	simm.s32 @!p1 $0x1082;
	[sflag:s4] =	ssyncset.s32 $0xFFFFF086  }
0x25: {  	[simem:s6], [sflag:s4] =	dma.local [hbm:s3], $0xF7A  }
0x26: {  	[smem:$0x3F9F] =	sst s1;
	(tag) =	ssettag s2;
	_ =	strace s9  }
0x27: {  	s1 =	sld [smem:$0x3FAF]  }
0x28: {  	s2 =	sld [smem:$0x3FB0]  }
0x29: {  	s4 =	sld [smem:$0x3FB2]  }
0x2a: {  	p0 =	seq.s32 s5, $0x0;
	s5 =	sld [smem:$0x3FB3]  }
0x2b: {  	s6 =	sld [smem:$0x3FB4]  }
0x2c: {  	s7 =	sld [smem:$0x3FB5]  }
0x2d: {  	s3 =	simm.s32 $0x108;
	s8 =	sld [smem:$0x3FB6]  }
0x2e: {  	s3 =	simm.s32 @!p0 $0x1082;
	s9 =	sld [smem:$0x3FB7]  }
0x2f: {  	lr =	sadd.s32 s0, s3;
	s0 =	sld [smem:$0x3FAE]  }
0x30: {  	s3 =	sld [smem:$0x3FB1]  }
0x31: {  	[smem:$0x3FBA] =	sst s10  }
0x32: {  	s10 =	sld [smem:$0x3FB8];
	_ =	sdelay $0x3  }
0x33: {  	p0 =	seq.s32 s10, $0x1;
	s10 =	sld [smem:$0x3FBA];
	_ =	sdelay $0x3  }
0x34: {  	[smem:$0x3FBA] =	sst s10  }
0x35: {  	s10 =	sld [smem:$0x3FB9];
	_ =	sdelay $0x3  }
0x36: {  	p1 =	seq.s32 s10, $0x1;
	s10 =	sld [smem:$0x3FBA];
	_ =	sdelay $0x3  }
0x37: {  	[smem:$0x3FBA] =	sst s10  }
0x38: {  	s10 =	sld [smem:$0x3FBB]  }
0x39: {  	_ = 	snop;
	(pc) =	sbr.ind lr, $3  }
0x3a: {  	_ = 	snop  }
0x3b: {  	_ = 	snop  }
0x3c: {  	p2 =	seq.s32 s10, $0x1;
	s10 =	sld [smem:$0x3FBA]  }
0x3d: {  	_ =	shalt  }
0x3e: {  	_ =	shalt  }
0x3f: {  	_ =	shalt  }
0x40: {  	_ =	shalt  }
0x41: {  	_ =	shalt  }
0x42: {  	_ =	shalt  }
0x43: {  	_ =	shalt  }
0x44: {  	_ =	shalt  }
0x45: {  	_ =	shalt  }
0x46: {  	_ =	shalt  }
0x47: {  	_ =	shalt  }
0x48: {  	_ =	shalt  }
0x49: {  	_ =	shalt  }
0x4a: {  	_ =	shalt  }
0x4b: {  	_ =	shalt  }
0x4c: {  	_ =	shalt  }
0x4d: {  	_ =	shalt  }
0x4e: {  	_ =	shalt  }
0x4f: {  	_ =	shalt  }
0x50: {  	_ =	shalt  }
0x51: {  	_ =	shalt  }
0x52: {  	_ =	shalt  }
0x53: {  	_ =	shalt  }
0x54: {  	_ =	shalt  }
0x55: {  	_ =	shalt  }
0x56: {  	_ =	shalt  }
0x57: {  	_ =	shalt  }
0x58: {  	_ =	shalt  }
0x59: {  	_ =	shalt  }
0x5a: {  	_ =	shalt  }
0x5b: {  	_ =	shalt  }
0x5c: {  	_ =	shalt  }
0x5d: {  	_ =	shalt  }
0x5e: {  	_ =	shalt  }
0x5f: {  	_ =	shalt  }
0x60: {  	_ =	shalt  }
0x61: {  	_ =	shalt  }
0x62: {  	_ =	shalt  }
0x63: {  	_ =	shalt  }
0x64: {  	_ =	shalt  }
0x65: {  	_ =	shalt  }
0x66: {  	_ =	shalt  }
0x67: {  	_ =	shalt  }
0x68: {  	_ =	shalt  }
0x69: {  	_ =	shalt  }
0x6a: {  	_ =	shalt  }
0x6b: {  	_ =	shalt  }
0x6c: {  	_ =	shalt  }
0x6d: {  	_ =	shalt  }
0x6e: {  	_ =	shalt  }
0x6f: {  	_ =	shalt  }
0x70: {  	_ =	shalt  }
0x71: {  	_ =	shalt  }
0x72: {  	_ =	shalt  }
0x73: {  	_ =	shalt  }
0x74: {  	_ =	shalt  }
0x75: {  	_ =	shalt  }
0x76: {  	_ =	shalt  }
0x77: {  	_ =	shalt  }
0x78: {  	_ =	shalt  }
0x79: {  	_ =	shalt  }
0x7a: {  	_ =	shalt  }
0x7b: {  	_ =	shalt  }
0x7c: {  	_ =	shalt  }
0x7d: {  	_ =	shalt  }
0x7e: {  	_ =	shalt  }
0x7f: {  	_ =	shalt  }
0x80: {  	_ =	shalt  }
0x81: {  	_ =	shalt  }
0x82: {  	_ =	shalt  }
0x83: {  	_ =	shalt  }
0x84: {  	_ =	shalt  }
0x85: {  	_ =	shalt  }
0x86: {  	_ =	shalt  }
0x87: {  	_ =	shalt  }
.Lfunc_end0:
.L_simem_size_0:
called_computation_lowered:
.L_overlay_start_0:
0x88: {  	s2 =	sld [smem:$0x3FD9]  }
0x89: {  	s3 =	sld [smem:$0x3FFE];
	_ =	sdelay $0x1  }
0x8a: {  	s1 =	srdreg.scid  }
0x8b: {  	s0 =	sand.u32 $0x1, s1  }
0x8c: {  	s17 =	sshll.u32 s0, $0xA;
	s2 =	sadd.s32 s3, s2  }
0x8d: {  	s2 =	sadd.s32 s2, s17  }
0x8e: {  	[smem:$0x3FC6] =	sst s2  }
0x8f: {  	_ = 	snop  }
0x90: {  	s2 =	sld [smem:$0x3FD0];
	(tm) =	ssettm $0x1  }
0x91: {  	s18 =	sld [smem:$0x3FFB];
	_ =	sdelay $0x3  }
0x92: {  	_ =	strace s18  }
0x93: {  	s3 =	sld [smem:$0x3FFC];
	_ =	sdelay $0x3  }
0x94: {  	_ =	strace s3  }
0x95: {  	s3 =	sld [smem:$0x3FFD];
	_ =	sdelay $0x3  }
0x96: {  	_ =	strace s3  }
0x97: {  	_ =	strace $0x8FFFFFFF  }
0x98: {  	s19 =	sld [smem:$0x3FDB];
	_ =	sdelay $0x1  }
0x99: {  	s4 =	simm.s32 $_scs_section_size  }
0x9a: {  	s5 =	simm.s32 $_size__tile_overlayer_lowered;
	s6 =	simm.s32 $_tile_overlayer_lowered  }
0x9b: {  	s22 =	simm.s32 $0x1BFF;
	s21 =	sshll.u32 s6, $0x1;
	s3 =	sadd.s32 s4, s19  }
0x9c: {  	s7 =	simm.s32 $0x0;
	s20 =	sshll.u32 s5, $0x1;
	s5 =	sadd.s32 s21, s3  }
0x9d: {  	[timem:s7], [sflag:s22] =	dma.local [hbm:s5], s20  }
0x9e: {  	_ =	swait.ge [sflag:s22], s20  }
0x9f: {  	s4 =	ssub.s32 $0x0, s20;
	[sflag:s22] =	ssyncset.done $0x0  }
0xa0: {  	[sflag:s22] =	ssyncadd.s32 s4;
	_ =	sdelay $0x1  }
0xa1: {  	s23 =	simm.s32 $0x1B8B  }
0xa2: {  	_ =	swait.ge [sflag:s23], $0x1  }
0xa3: {  	[sflag:s23] =	ssyncset.done $0x0  }
0xa4: {  	s25 =	simm.s32 $0x1B8E;
	s24 =	sld [smem:$0x3FFE];
	[sflag:s23] =	ssyncadd.s32 $0xFFFFFFFF  }
0xa5: {  	s26 =	simm.s32 $execute0_lowered;
	[smem:$0x3FD2] =	sst s25  }
0xa6: {  	s5 =	sshll.u32 s26, $0x1;
	_ =	strace $0x80000046;
	[dreg:$0x1] =	wrdreg $0xFFFFFFFF  }
0xa7: {  	s28 =	simm.s32 $_size_execute0_lowered;
	s3 =	sadd.s32 s3, s5;
	[dreg:$0x0] =	wrdreg $0x0  }
0xa8: {  	s5 =	sshll.u32 s28, $0x1;
	[dreg:$0x2] =	wrdreg s3  }
0xa9: {  	[dreg:$0x3] =	wrdreg s5  }
0xaa: {  	[dreg:$0x4] =	wrdreg $0xC0  }
0xab: {  	_ =	task [dreg:s7], $0x5FFFF  }
0xac: {  	[dreg:$0x1] =	wrdreg $0xFFFFFFFF  }
0xad: {  	[dreg:$0x0] =	wrdreg $0x60  }
0xae: {  	[dreg:$0x2] =	wrdreg s24  }
0xaf: {  	[dreg:$0x3] =	wrdreg s2  }
0xb0: {  	[dreg:$0x4] =	wrdreg $0x9  }
0xb1: {  	_ =	task.clear_ibuf [dreg:s7], $0x5FFFF;
	_ =	strace $0x90000046  }
0xb2: {  	s29 =	simm.s32 $0x9;
	_ =	strace $0x80000048  }
0xb3: {  	_ =	swait.ge [sflag:s29], $0x1  }
0xb4: {  	[sflag:s29] =	ssyncadd.s32 $0xFFFFFFFF  }
0xb5: {  	_ =	strace $0x90000048  }
0xb6: {  	_ =	sfence  }
0xb7: {  	s30 =	sld [smem:$0x0];
	_ =	sdelay $0x2  }
0xb8: {  	s31 =	sshll.u32 s1, $0xD;
	s1 =	sshrl.u32 s1, $0x2  }
0xb9: {  	s3 =	sand.u32 $0x4000, s31;
	s1 =	sadd.s32 s1, s30  }
0xba: {  	s0 =	sor.u32 s3, s0;
	s1 =	sshll.u32 s1, $0x11  }
0xbb: {  	s0 =	sor.u32 s1, s0  }
0xbc: {  	s0 =	sadd.s32 $0x8F2B, s0  }
0xbd: {  	[sflag:s0] =	ssyncadd.remote.s32 $0x1  }
0xbe: {  	_ =	sfence.sel $0xFFFF  }
0xbf: {  	[dreg:$0x0] =	wrdreg $0xFFFFFFFF;
	(pc) =	sbr.abs _section_cstart, $3  }
0xc0: {  	[dreg:$0x1] =	wrdreg $0xFFFFFFFF  }
0xc1: {  	_ =	task.clear_ibuf [dreg:s7], $0x2FFFF;
	_ =	strace $0x9FFFFFFF  }
0xc2: {  	(tm) =	ssettm $0x7FFFFFFF  }
0xc3: {  	_ =	shalt  }
tec
execute0_lowered:
.L_overlay_start_1:
0x0: {  	(tag) =	ssettag $0x1  }
0x1: {  	s5 =	rddreg [dreg:$0x0]  }
0x2: {  	s2 =	rddreg [dreg:$0x1]  }
0x3: {  	s0 =	rddreg [dreg:$0x2]  }
0x4: {  	s1 =	stileid.u32;
	s4 =	srdreg.scid;
	s3 =	simm.s32 $0x0  }
0x5: {  	s15 =	simm.s32 $0xCC00;
	s16 =	simm.s32 $0x1;
	s17 =	simm.s32 $0x1900  }
0x6: {  	s18 =	simm.s32 $0x1C00;
	s19 =	simm.s32 $0x2;
	s20 =	simm.s32 $0x3  }
0x7: {  	s21 =	simm.s32 $0x4;
	s22 =	simm.s32 $0x0;
	s7 =	smul.u32 $0xE0000, s1  }
0x8: {  	s6 =	sand.u32 $0x1, s4;
	s28 =	sshll.u32 s1, $0x1;
	s11 =	smul.u32 $0xC800, s1  }
0x9: {  	[smem:$0x7FF] =	sst s3;
	s4 =	sor.u32 s6, s28;
	s9 =	smul.u32 $0x70000, s6  }
0xa: {  	_ =	strace $0x80000047;
	s29 =	ssub.s32 $0x2, s6;
	s13 =	smul.u32 $0x6400, s6  }
0xb: {  	s8 =	smul.u32 $0x6400, s4;
	s10 =	sadd.s32 s7, s5;
	s30 =	sshrl.u32 s29, $0x1  }
0xc: {  	s4 =	sadd.s32 $0xF42A00, s5;
	s14 =	ssub.s32 s29, s30;
	s9 =	sadd.s32 s9, s10  }
0xd: {  	s31 =	sadd.s32 s13, s11;
	s11 =	simm.s32 $0x5;
	s13 =	simm.s32 $0x400  }
0xe: {  	s12 =	sshrl.u32 s8, $0x3;
	s5 =	sadd.s32 $0x6270, s8;
	s8 =	smax.u32 s14, $0x1  }
0xf: {  	s9 =	sadd.s32 $0x600, s9;
	s10 =	sadd.s32 $0x4B0, s31;
	s6 =	sadd.s32 s2, s12  }
0x10: {  	s14 =	simm.s32 $0x200;
	s12 =	simm.s32 $0x190;
	s7 =	sadd.s32 $0x32, s6  }
.LBB2_1:
0x11: {  	[tilespmem:s3], [sflag:$0x5] =	stream.linear.gather [hbm4b:s6+s3], $0x190, $0x38;
	[tilespmem:$0x19400] =	vst v63  }
0x12: {  	_ =	swait.ge [sflag:s11], $0x190  }
0x13: {  	[sflag:s11] =	ssyncset.done $0x0  }
0x14: {  	[sflag:s11] =	ssyncadd.s32 $0xFFFFFE70  }
0x15: {  	[tilespmem:s13], [sflag:$0x1] =	stream.indirect.gather [hbm4b:s4+s12], $0x80, s3, s12, $0xb8;
	[tilespmem:$0x19400] =	vst v63  }
0x16: {  	_ = 	snop  }
0x17: {  	[tilespmem:s14], [sflag:$0x5] =	stream.linear.gather [hbm4b:s7+s3], $0x190, $0x38;
	[tilespmem:$0x19400] =	vst v63  }
0x18: {  	_ =	swait.ge [sflag:s11], $0x190  }
0x19: {  	[sflag:s11] =	ssyncset.done $0x0  }
0x1a: {  	[sflag:s11] =	ssyncadd.s32 $0xFFFFFE70  }
0x1b: {  	[tilespmem:s15], [sflag:$0x2] =	stream.indirect.gather [hbm4b:s4+s12], $0x80, s14, s12, $0xb8;
	[tilespmem:$0x19400] =	vst v63  }
0x1c: {  	_ =	swait.ge [sflag:s16], $0xC800  }
0x1d: {  	[sflag:s16] =	ssyncset.done $0x0  }
0x1e: {  	s23 =	sadd.s32 $0x0, s9;
	s24 =	sadd.s32 $0xFFFFFE70, s10;
	[sflag:s16] =	ssyncadd.s32 $0xFFFF3800  }
0x1f: {  	[hbm4b:s23+s17] =	stream.strided.scatter [tilespmem:s13], [sflag:$0x3], $0xC800, s18, s17, $0x38;
	[tilespmem:$0x19400] =	vst v63  }
0x20: {  	s25 =	smov.u32 s5;
	p0 =	slt.s32 s24, s5;
	_ =	swait.ge [sflag:s19], $0xC800  }
0x21: {  	s25 =	smov.u32 @p0 s24;
	[sflag:s19] =	ssyncset.done $0x0  }
0x22: {  	s24 =	sshrl.u32 s25, $0x3;
	s23 =	sadd.s32 $0x1C00, s23;
	[sflag:s19] =	ssyncadd.s32 $0xFFFF3800  }
0x23: {  	[hbm4b:s23+s17] =	stream.strided.scatter [tilespmem:s15], [sflag:$0x4], $0xC800, s18, s17, $0x38;
	[tilespmem:$0x19400] =	vst v63  }
0x24: {  	s31 =	sadd.s32 s2, s24  }
0x25: {  	[tilespmem:s3], [sflag:$0x5] =	stream.linear.gather [hbm4b:s31+s3], $0x190, $0x38;
	[tilespmem:$0x19400] =	vst v63  }
0x26: {  	_ =	swait.ge [sflag:s11], $0x190  }
0x27: {  	[sflag:s11] =	ssyncset.done $0x0  }
0x28: {  	[sflag:s11] =	ssyncadd.s32 $0xFFFFFE70  }
0x29: {  	p0 =	slt.s32 s10, s5;
	s23 =	smov.u32 s5;
	_ =	swait.ge [sflag:s20], $0xC800  }
0x2a: {  	s23 =	smov.u32 @p0 s10;
	[sflag:s20] =	ssyncset.done $0x0  }
0x2b: {  	s23 =	sshrl.u32 s23, $0x3;
	[sflag:s20] =	ssyncadd.s32 $0xFFFF3800  }
0x2c: {  	[tilespmem:s13], [sflag:$0x1] =	stream.indirect.gather [hbm4b:s4+s12], $0x80, s3, s12, $0xb8;
	[tilespmem:$0x19400] =	vst v63  }
0x2d: {  	s23 =	sadd.s32 s2, s23  }
0x2e: {  	[tilespmem:s14], [sflag:$0x5] =	stream.linear.gather [hbm4b:s23+s3], $0x190, $0x38;
	[tilespmem:$0x19400] =	vst v63  }
0x2f: {  	_ =	swait.ge [sflag:s11], $0x190  }
0x30: {  	[sflag:s11] =	ssyncset.done $0x0  }
0x31: {  	[sflag:s11] =	ssyncadd.s32 $0xFFFFFE70  }
0x32: {  	_ =	swait.ge [sflag:s21], $0xC800  }
0x33: {  	s24 =	smov.u32 s10;
	s23 =	simm.s32 $0x3800;
	[sflag:s21] =	ssyncset.done $0x0  }
.LBB2_2:
0x34: {  	p0 =	sne.s32 s23, $0x6C800;
	[sflag:s21] =	ssyncadd.s32 $0xFFFF3800;
	s24 =	sadd.s32 $0x320, s24  }
0x35: {  	[tilespmem:s15], [sflag:$0x2] =	stream.indirect.gather [hbm4b:s4+s12], $0x80, s14, s12, $0xb8;
	[tilespmem:$0x19400] =	vst v63  }
0x36: {  	s25 =	smov.u32 s23;
	s23 =	sadd.s32 $0x3800, s23;
	_ =	swait.ge [sflag:s16], $0xC800  }
0x37: {  	s25 =	sadd.s32 s25, s9;
	[sflag:s16] =	ssyncset.done $0x0  }
0x38: {  	s26 =	sadd.s32 $0xFFFFFE70, s24;
	[sflag:s16] =	ssyncadd.s32 $0xFFFF3800  }
0x39: {  	[hbm4b:s25+s17] =	stream.strided.scatter [tilespmem:s13], [sflag:$0x3], $0xC800, s18, s17, $0x38;
	[tilespmem:$0x19400] =	vst v63  }
0x3a: {  	s28 =	smov.u32 s5;
	p1 =	slt.s32 s26, s5;
	_ =	swait.ge [sflag:s19], $0xC800  }
0x3b: {  	s28 =	smov.u32 @p1 s26;
	s25 =	sadd.s32 $0x1C00, s25;
	[sflag:s19] =	ssyncset.done $0x0  }
0x3c: {  	s26 =	sshrl.u32 s28, $0x3;
	[sflag:s19] =	ssyncadd.s32 $0xFFFF3800  }
0x3d: {  	[hbm4b:s25+s17] =	stream.strided.scatter [tilespmem:s15], [sflag:$0x4], $0xC800, s18, s17, $0x38;
	[tilespmem:$0x19400] =	vst v63  }
0x3e: {  	s25 =	sadd.s32 s2, s26  }
0x3f: {  	[tilespmem:s3], [sflag:$0x5] =	stream.linear.gather [hbm4b:s25+s3], $0x190, $0x38;
	[tilespmem:$0x19400] =	vst v63  }
0x40: {  	_ =	swait.ge [sflag:s11], $0x190  }
0x41: {  	[sflag:s11] =	ssyncset.done $0x0  }
0x42: {  	[sflag:s11] =	ssyncadd.s32 $0xFFFFFE70  }
0x43: {  	p1 =	slt.s32 s24, s5;
	s25 =	smov.u32 s5;
	_ =	swait.ge [sflag:s20], $0xC800  }
0x44: {  	s25 =	smov.u32 @p1 s24;
	[sflag:s20] =	ssyncset.done $0x0  }
0x45: {  	s25 =	sshrl.u32 s25, $0x3;
	[sflag:s20] =	ssyncadd.s32 $0xFFFF3800  }
0x46: {  	[tilespmem:s13], [sflag:$0x1] =	stream.indirect.gather [hbm4b:s4+s12], $0x80, s3, s12, $0xb8;
	[tilespmem:$0x19400] =	vst v63  }
0x47: {  	s25 =	sadd.s32 s2, s25  }
0x48: {  	[tilespmem:s14], [sflag:$0x5] =	stream.linear.gather [hbm4b:s25+s3], $0x190, $0x38;
	[tilespmem:$0x19400] =	vst v63  }
.Ltmp0:
0x49: {  	_ =	swait.ge [sflag:s11], $0x190;
	(pc) =	sbr.rel @p0 .LBB2_2-.Ltmp0, $4  }
0x4a: {  	[sflag:s11] =	ssyncset.done $0x0  }
0x4b: {  	[sflag:s11] =	ssyncadd.s32 $0xFFFFFE70  }
0x4c: {  	_ =	swait.ge [sflag:s21], $0xC800  }
0x4d: {  	[sflag:s21] =	ssyncset.done $0x0  }
0x4e: {  	[sflag:s21] =	ssyncadd.s32 $0xFFFF3800;
	s22 =	sadd.s32 $0x1, s22  }
0x4f: {  	[tilespmem:s15], [sflag:$0x2] =	stream.indirect.gather [hbm4b:s4+s12], $0x80, s14, s12, $0xb8;
	[tilespmem:$0x19400] =	vst v63  }
0x50: {  	p0 =	sne.s32 s22, s8;
	_ =	swait.ge [sflag:s16], $0xC800  }
.Ltmp1:
0x51: {  	[sflag:s16] =	ssyncset.done $0x0;
	(pc) =	sbr.rel @p0 .LBB2_1-.Ltmp1, $4  }
0x52: {  	[sflag:s16] =	ssyncadd.s32 $0xFFFF3800  }
0x53: {  	_ =	swait.ge [sflag:s19], $0xC800  }
0x54: {  	[sflag:s19] =	ssyncset.done $0x0  }
0x55: {  	[sflag:s19] =	ssyncadd.s32 $0xFFFF3800  }
0x56: {  	_ =	sfence.sel $0x180000  }
0x57: {  	[bflag:$0x0] =	sbarrier.arrive $0xFFFF  }
0x58: {  	p0 =	sne.s32 s1, $0x0;
	_ =	strace $0x90000047  }
0x59: {  	s0 =	sadd.s32 @!p0 $0x100000, s0;
	[bflag:$0x2] =	sbarrier.arrive $0xFFFF  }
0x5a: {  	[sflag:s0] =	ssyncadd.tile.s32 @!p0 $0x1;
	_ =	shalt  }
.Lfunc_end2:
_tile_overlayer_lowered:
.L_overlay_start_2:
0x5b: {  	(tag) =	ssettag $0x2  }
0x5c: {  	s0 =	rddreg [dreg:$0x0];
	s2 =	stileid.u32  }
0x5d: {  	s1 =	rddreg [dreg:$0x1];
	p0 =	sne.s32 s2, $0x0  }
0x5e: {  	s3 =	rddreg [dreg:$0x2];
	[bflag:$0x3] =	sbarrier.arrive $0xFFFF;
	s2 =	simm.s32 @!p0 $0x1C05  }
0x5f: {  	[timem:s3], [sflag:s2] =	dma.local @!p0 [hbm:s0], s1  }
0x60: {  	s0 =	simm.s32 @!p0 $0x5  }
0x61: {  	_ =	swait.ge @!p0 [sflag:s0], s1  }
0x62: {  	s1 =	ssub.s32 @!p0 $0x0, s1;
	[sflag:s0] =	ssyncset.done @!p0 $0x0  }
0x63: {  	[sflag:s0] =	ssyncadd.s32 @!p0 s1  }
0x64: {  	[bflag:$0x3] =	sbarrier.arrive $0xFFFF  }
0x65: {  	_ =	shalt  }

</sc_bundles>
